<compile_context>
chip_gen: v7x
topology: tpu7x:2x2x1
jax: 0.10.2.dev20260603
libtpu: 0.0.44.dev20260713+nightly
codegen_flags: <defaults>
</compile_context>

<pallas_src>
import jax
import jax.numpy as jnp
from jax import lax
from jax.experimental import pallas as pl
from jax.experimental.pallas import tpu as pltpu
from jax.experimental.pallas import tpu_sc as plsc

_R, _C = 4, 8192
_NS, _L = 16, 16
_CHUNK = _R * _C // _NS
_PER_ROW = _C // _CHUNK
_H = _CHUNK // 2


def _body(x_hbm, out_hbm, x0, x1, s0, s1, t0, t1):
    wid = lax.axis_index("s")
    row = wid // _PER_ROW
    col = (wid % _PER_ROW) * _CHUNK

    in0 = pltpu.async_copy(x_hbm.at[row, pl.ds(col, _H)], x0, s0)
    in1 = pltpu.async_copy(x_hbm.at[row, pl.ds(col + _H, _H)], x1, s1)

    def run_loop(buf):
        @plsc.parallel_loop(0, _H, step=_L, unroll=8)
        def body(i):
            buf[pl.ds(i, _L)] = buf[pl.ds(i, _L)] & 15

    in0.wait()
    run_loop(x0)
    out0 = pltpu.async_copy(x0, out_hbm.at[row, pl.ds(col, _H)], t0)
    in1.wait()
    run_loop(x1)
    out1 = pltpu.async_copy(x1, out_hbm.at[row, pl.ds(col + _H, _H)], t1)
    out0.wait()
    out1.wait()


def kernel(token_types):
    in_dtype = token_types.dtype
    x = token_types.astype(jnp.int32)
    out = pl.kernel(
        _body,
        out_type=jax.ShapeDtypeStruct((_R, _C), jnp.int32),
        mesh=plsc.VectorSubcoreMesh(
            core_axis_name="c", subcore_axis_name="s", num_cores=1
        ),
        scratch_types=[
            pltpu.VMEM((_H,), jnp.int32),
            pltpu.VMEM((_H,), jnp.int32),
            pltpu.SemaphoreType.DMA,
            pltpu.SemaphoreType.DMA,
            pltpu.SemaphoreType.DMA,
            pltpu.SemaphoreType.DMA,
        ],
    )(x)
    return out.astype(in_dtype)

# --- scband reference (transcript-rebuilt; emitter-appended) ---
"""Pipeline reference for scband-token-type-router-36996848288058 (READ-ONLY COPY).

The authoritative reference and input builder live on the scoring server;
editing this copy changes nothing except your own understanding.
"""

import jax, jax.numpy as jnp
import numpy as np

NUM_EXPERTS = 16

def setup_inputs(seed: int = 0) -> dict:
    key = jax.random.key(seed)
    token_types = jax.random.randint(key, (4, 8192), 0, 1024, dtype=jnp.int64 if jax.config.jax_enable_x64 else jnp.int32)
    return {"token_types": token_types}

def reference(token_types) -> jnp.ndarray:
    # Faithful translation of TokenTypeRouter.forward:
    # experts_indices = token_types % num_experts
    experts_indices = jnp.mod(token_types, NUM_EXPERTS)
    return experts_indices

if __name__ == "__main__":
    import jax
    _d = setup_inputs()
    print(jax.jit(kernel)(*tuple(_d.values())))

</pallas_src>

<mosaic_0001>
#map = affine_map<(d0, d1) -> (0, 0)>
module attributes {stable_mosaic.version = 14 : i64} {
  func.func @_body(%arg0: i32, %arg1: i32, %arg2: memref<4x8192xi32, #tpu.memory_space<hbm>>, %arg3: memref<4x8192xi32, #tpu.memory_space<hbm>>, %arg4: memref<1024xi32, #tpu.memory_space<vmem>>, %arg5: memref<1024xi32, #tpu.memory_space<vmem>>, %arg6: memref<!tpu.dma_semaphore, #tpu.memory_space<semaphore_mem>>, %arg7: memref<!tpu.dma_semaphore, #tpu.memory_space<semaphore_mem>>, %arg8: memref<!tpu.dma_semaphore, #tpu.memory_space<semaphore_mem>>, %arg9: memref<!tpu.dma_semaphore, #tpu.memory_space<semaphore_mem>>) attributes {dimension_semantics = [#tpu.dimension_semantics<core_parallel>, #tpu.dimension_semantics<subcore_parallel>], iteration_bounds = array<i64: 1, 16>, scalar_prefetch = 0 : i64, scratch_operands = 6 : i64, tpu.core_type = #tpu.core_type<sc_vector_subcore>, window_params = [{transform_indices = #map}, {transform_indices = #map}]} {
    %jit3A = arith.constant 4 : i32
    %div3A = arith.divsi %arg1, %jit3A : i32
    %sign3A = arith.constant 0 : i32
    %sign3A_0 = arith.cmpi sgt, %arg1, %sign3A : i32
    %sign3A_1 = arith.extui %sign3A_0 : i1 to i32
    %sign3A_2 = arith.constant 0 : i32
    %sign3A_3 = arith.cmpi slt, %arg1, %sign3A_2 : i32
    %sign3A_4 = arith.extui %sign3A_3 : i1 to i32
    %sign3A_5 = arith.subi %sign3A_1, %sign3A_4 : i32
    %sign3A_6 = arith.constant 0 : i32
    %sign3A_7 = arith.cmpi sgt, %jit3A, %sign3A_6 : i32
    %sign3A_8 = arith.extui %sign3A_7 : i1 to i32
    %sign3A_9 = arith.constant 0 : i32
    %sign3A_10 = arith.cmpi slt, %jit3A, %sign3A_9 : i32
    %sign3A_11 = arith.extui %sign3A_10 : i1 to i32
    %sign3A_12 = arith.subi %sign3A_8, %sign3A_11 : i32
    %ne3A = arith.cmpi ne, %sign3A_5, %sign3A_12 : i32
    %rem3A = arith.remsi %arg1, %jit3A : i32
    %ne3A_13 = arith.constant 0 : i32
    %ne3A_14 = arith.cmpi ne, %rem3A, %ne3A_13 : i32
    %and3A = arith.andi %ne3A, %ne3A_14 : i1
    %sub3A = arith.constant 1 : i32
    %sub3A_15 = arith.subi %div3A, %sub3A : i32
    %select_n3A = arith.select %and3A, %sub3A_15, %div3A : i32
    %jit3A_16 = arith.constant 4 : i32
    %eq3A = arith.constant 0 : i32
    %eq3A_17 = arith.cmpi eq, %jit3A_16, %eq3A : i32
    %jit3A_18 = arith.constant 1 : i32
    %select_n3A_19 = arith.select %eq3A_17, %jit3A_18, %jit3A_16 : i32
    %rem3A_20 = arith.remsi %arg1, %select_n3A_19 : i32
    %ne3A_21 = arith.constant 0 : i32
    %ne3A_22 = arith.cmpi ne, %rem3A_20, %ne3A_21 : i32
    %lt3A = arith.constant 0 : i32
    %lt3A_23 = arith.cmpi slt, %rem3A_20, %lt3A : i32
    %lt3A_24 = arith.constant 0 : i32
    %lt3A_25 = arith.cmpi slt, %select_n3A_19, %lt3A_24 : i32
    %ne3A_26 = arith.xori %lt3A_23, %lt3A_25 : i1
    %and3A_27 = arith.andi %ne3A_26, %ne3A_22 : i1
    %add3A = arith.addi %rem3A_20, %select_n3A_19 : i32
    %select_n3A_28 = arith.select %and3A_27, %add3A, %rem3A_20 : i32
    %mul3A = arith.constant 2048 : i32
    %mul3A_29 = arith.muli %select_n3A_28, %mul3A : i32
    %dma_start3A = tpu.memref_slice %arg2[%select_n3A, %mul3A_29] : memref<4x8192xi32, #tpu.memory_space<hbm>> -> memref<1x1024xi32, #tpu.memory_space<hbm>>
    %dma_start3A_30 = tpu.memref_squeeze %dma_start3A : memref<1x1024xi32, #tpu.memory_space<hbm>> -> memref<1024xi32, #tpu.memory_space<hbm>>
    %dma_start3A_31 = tpu.memref_slice %arg2[%select_n3A, %mul3A_29] : memref<4x8192xi32, #tpu.memory_space<hbm>> -> memref<1x1024xi32, #tpu.memory_space<hbm>>
    %dma_start3A_32 = tpu.memref_squeeze %dma_start3A_31 : memref<1x1024xi32, #tpu.memory_space<hbm>> -> memref<1024xi32, #tpu.memory_space<hbm>>
    tpu.enqueue_dma source(%dma_start3A_32 : memref<1024xi32, #tpu.memory_space<hbm>>) target(%arg4 : memref<1024xi32, #tpu.memory_space<vmem>>) target_semaphore(%arg6 : memref<!tpu.dma_semaphore, #tpu.memory_space<semaphore_mem>>)
    %add3A_33 = arith.constant 1024 : i32
    %add3A_34 = arith.addi %mul3A_29, %add3A_33 : i32
    %dma_start3A_35 = tpu.memref_slice %arg2[%select_n3A, %add3A_34] : memref<4x8192xi32, #tpu.memory_space<hbm>> -> memref<1x1024xi32, #tpu.memory_space<hbm>>
    %dma_start3A_36 = tpu.memref_squeeze %dma_start3A_35 : memref<1x1024xi32, #tpu.memory_space<hbm>> -> memref<1024xi32, #tpu.memory_space<hbm>>
    %dma_start3A_37 = tpu.memref_slice %arg2[%select_n3A, %add3A_34] : memref<4x8192xi32, #tpu.memory_space<hbm>> -> memref<1x1024xi32, #tpu.memory_space<hbm>>
    %dma_start3A_38 = tpu.memref_squeeze %dma_start3A_37 : memref<1x1024xi32, #tpu.memory_space<hbm>> -> memref<1024xi32, #tpu.memory_space<hbm>>
    tpu.enqueue_dma source(%dma_start3A_38 : memref<1024xi32, #tpu.memory_space<hbm>>) target(%arg5 : memref<1024xi32, #tpu.memory_space<vmem>>) target_semaphore(%arg7 : memref<!tpu.dma_semaphore, #tpu.memory_space<semaphore_mem>>)
    %dma_wait3A = tpu.memref_slice %arg2[%select_n3A, %mul3A_29] : memref<4x8192xi32, #tpu.memory_space<hbm>> -> memref<1x1024xi32, #tpu.memory_space<hbm>>
    %dma_wait3A_39 = tpu.memref_squeeze %dma_wait3A : memref<1x1024xi32, #tpu.memory_space<hbm>> -> memref<1024xi32, #tpu.memory_space<hbm>>
    %dma_wait3A_40 = tpu.memref_slice %arg2[%select_n3A, %mul3A_29] : memref<4x8192xi32, #tpu.memory_space<hbm>> -> memref<1x1024xi32, #tpu.memory_space<hbm>>
    %dma_wait3A_41 = tpu.memref_squeeze %dma_wait3A_40 : memref<1x1024xi32, #tpu.memory_space<hbm>> -> memref<1024xi32, #tpu.memory_space<hbm>>
    tpu.wait_dma2 semaphore(%arg6 : memref<!tpu.dma_semaphore, #tpu.memory_space<semaphore_mem>>) src(%dma_wait3A_41 : memref<1024xi32, #tpu.memory_space<hbm>>) dst(%arg4 : memref<1024xi32, #tpu.memory_space<vmem>>)
    %parallel_loop3A = arith.constant 0 : i32
    %parallel_loop3A_42 = arith.constant 1024 : i32
    %parallel_loop3A_43 = arith.constant 16 : i32
    scf.for %parallel_loop3A_69 = %parallel_loop3A to %parallel_loop3A_42 step %parallel_loop3A_43  : i32 {
      %parallel_loop3A_70 = arith.index_cast %parallel_loop3A_69 : i32 to index
      %parallel_loop3A_71 = tpu.vector_load %arg4[%parallel_loop3A_70] {strides = array<i32>} : memref<1024xi32, #tpu.memory_space<vmem>>, vector<16xi32>,
      %parallel_loop3A_72 = vector.shape_cast %parallel_loop3A_71 : vector<16xi32> to vector<16xi32>
      %parallel_loop3A_73 = arith.constant 15 : i32
      %parallel_loop3A_74 = vector.broadcast %parallel_loop3A_73 : i32 to vector<16xi32>
      %parallel_loop3A_75 = arith.andi %parallel_loop3A_72, %parallel_loop3A_74 : vector<16xi32>
      %parallel_loop3A_76 = arith.index_cast %parallel_loop3A_69 : i32 to index
      %parallel_loop3A_77 = tpu.vector_load %arg4[%parallel_loop3A_76] {strides = array<i32>} : memref<1024xi32, #tpu.memory_space<vmem>>, vector<16xi32>,
      %parallel_loop3A_78 = vector.shape_cast %parallel_loop3A_77 : vector<16xi32> to vector<16xi32>
      %parallel_loop3A_79 = vector.shape_cast %parallel_loop3A_75 : vector<16xi32> to vector<16xi32>
      tpu.vector_store %arg4[%parallel_loop3A_76], %parallel_loop3A_79 {strides = array<i32>} : memref<1024xi32, #tpu.memory_space<vmem>>, vector<16xi32>,
    } {sc.loop_unroll_factor = 8 : i64, sc.parallel_access}
    %dma_start3A_44 = tpu.memref_slice %arg3[%select_n3A, %mul3A_29] : memref<4x8192xi32, #tpu.memory_space<hbm>> -> memref<1x1024xi32, #tpu.memory_space<hbm>>
    %dma_start3A_45 = tpu.memref_squeeze %dma_start3A_44 : memref<1x1024xi32, #tpu.memory_space<hbm>> -> memref<1024xi32, #tpu.memory_space<hbm>>
    %dma_start3A_46 = tpu.memref_slice %arg3[%select_n3A, %mul3A_29] : memref<4x8192xi32, #tpu.memory_space<hbm>> -> memref<1x1024xi32, #tpu.memory_space<hbm>>
    %dma_start3A_47 = tpu.memref_squeeze %dma_start3A_46 : memref<1x1024xi32, #tpu.memory_space<hbm>> -> memref<1024xi32, #tpu.memory_space<hbm>>
    tpu.enqueue_dma source(%arg4 : memref<1024xi32, #tpu.memory_space<vmem>>) target(%dma_start3A_47 : memref<1024xi32, #tpu.memory_space<hbm>>) target_semaphore(%arg8 : memref<!tpu.dma_semaphore, #tpu.memory_space<semaphore_mem>>)
    %dma_wait3A_48 = tpu.memref_slice %arg2[%select_n3A, %add3A_34] : memref<4x8192xi32, #tpu.memory_space<hbm>> -> memref<1x1024xi32, #tpu.memory_space<hbm>>
    %dma_wait3A_49 = tpu.memref_squeeze %dma_wait3A_48 : memref<1x1024xi32, #tpu.memory_space<hbm>> -> memref<1024xi32, #tpu.memory_space<hbm>>
    %dma_wait3A_50 = tpu.memref_slice %arg2[%select_n3A, %add3A_34] : memref<4x8192xi32, #tpu.memory_space<hbm>> -> memref<1x1024xi32, #tpu.memory_space<hbm>>
    %dma_wait3A_51 = tpu.memref_squeeze %dma_wait3A_50 : memref<1x1024xi32, #tpu.memory_space<hbm>> -> memref<1024xi32, #tpu.memory_space<hbm>>
    tpu.wait_dma2 semaphore(%arg7 : memref<!tpu.dma_semaphore, #tpu.memory_space<semaphore_mem>>) src(%dma_wait3A_51 : memref<1024xi32, #tpu.memory_space<hbm>>) dst(%arg5 : memref<1024xi32, #tpu.memory_space<vmem>>)
    %parallel_loop3A_52 = arith.constant 0 : i32
    %parallel_loop3A_53 = arith.constant 1024 : i32
    %parallel_loop3A_54 = arith.constant 16 : i32
    scf.for %parallel_loop3A_69 = %parallel_loop3A_52 to %parallel_loop3A_53 step %parallel_loop3A_54  : i32 {
      %parallel_loop3A_70 = arith.index_cast %parallel_loop3A_69 : i32 to index
      %parallel_loop3A_71 = tpu.vector_load %arg5[%parallel_loop3A_70] {strides = array<i32>} : memref<1024xi32, #tpu.memory_space<vmem>>, vector<16xi32>,
      %parallel_loop3A_72 = vector.shape_cast %parallel_loop3A_71 : vector<16xi32> to vector<16xi32>
      %parallel_loop3A_73 = arith.constant 15 : i32
      %parallel_loop3A_74 = vector.broadcast %parallel_loop3A_73 : i32 to vector<16xi32>
      %parallel_loop3A_75 = arith.andi %parallel_loop3A_72, %parallel_loop3A_74 : vector<16xi32>
      %parallel_loop3A_76 = arith.index_cast %parallel_loop3A_69 : i32 to index
      %parallel_loop3A_77 = tpu.vector_load %arg5[%parallel_loop3A_76] {strides = array<i32>} : memref<1024xi32, #tpu.memory_space<vmem>>, vector<16xi32>,
      %parallel_loop3A_78 = vector.shape_cast %parallel_loop3A_77 : vector<16xi32> to vector<16xi32>
      %parallel_loop3A_79 = vector.shape_cast %parallel_loop3A_75 : vector<16xi32> to vector<16xi32>
      tpu.vector_store %arg5[%parallel_loop3A_76], %parallel_loop3A_79 {strides = array<i32>} : memref<1024xi32, #tpu.memory_space<vmem>>, vector<16xi32>,
    } {sc.loop_unroll_factor = 8 : i64, sc.parallel_access}
    %add3A_55 = arith.constant 1024 : i32
    %add3A_56 = arith.addi %mul3A_29, %add3A_55 : i32
    %dma_start3A_57 = tpu.memref_slice %arg3[%select_n3A, %add3A_56] : memref<4x8192xi32, #tpu.memory_space<hbm>> -> memref<1x1024xi32, #tpu.memory_space<hbm>>
    %dma_start3A_58 = tpu.memref_squeeze %dma_start3A_57 : memref<1x1024xi32, #tpu.memory_space<hbm>> -> memref<1024xi32, #tpu.memory_space<hbm>>
    %dma_start3A_59 = tpu.memref_slice %arg3[%select_n3A, %add3A_56] : memref<4x8192xi32, #tpu.memory_space<hbm>> -> memref<1x1024xi32, #tpu.memory_space<hbm>>
    %dma_start3A_60 = tpu.memref_squeeze %dma_start3A_59 : memref<1x1024xi32, #tpu.memory_space<hbm>> -> memref<1024xi32, #tpu.memory_space<hbm>>
    tpu.enqueue_dma source(%arg5 : memref<1024xi32, #tpu.memory_space<vmem>>) target(%dma_start3A_60 : memref<1024xi32, #tpu.memory_space<hbm>>) target_semaphore(%arg9 : memref<!tpu.dma_semaphore, #tpu.memory_space<semaphore_mem>>)
    %dma_wait3A_61 = tpu.memref_slice %arg3[%select_n3A, %mul3A_29] : memref<4x8192xi32, #tpu.memory_space<hbm>> -> memref<1x1024xi32, #tpu.memory_space<hbm>>
    %dma_wait3A_62 = tpu.memref_squeeze %dma_wait3A_61 : memref<1x1024xi32, #tpu.memory_space<hbm>> -> memref<1024xi32, #tpu.memory_space<hbm>>
    %dma_wait3A_63 = tpu.memref_slice %arg3[%select_n3A, %mul3A_29] : memref<4x8192xi32, #tpu.memory_space<hbm>> -> memref<1x1024xi32, #tpu.memory_space<hbm>>
    %dma_wait3A_64 = tpu.memref_squeeze %dma_wait3A_63 : memref<1x1024xi32, #tpu.memory_space<hbm>> -> memref<1024xi32, #tpu.memory_space<hbm>>
    tpu.wait_dma2 semaphore(%arg8 : memref<!tpu.dma_semaphore, #tpu.memory_space<semaphore_mem>>) src(%arg4 : memref<1024xi32, #tpu.memory_space<vmem>>) dst(%dma_wait3A_64 : memref<1024xi32, #tpu.memory_space<hbm>>)
    %dma_wait3A_65 = tpu.memref_slice %arg3[%select_n3A, %add3A_56] : memref<4x8192xi32, #tpu.memory_space<hbm>> -> memref<1x1024xi32, #tpu.memory_space<hbm>>
    %dma_wait3A_66 = tpu.memref_squeeze %dma_wait3A_65 : memref<1x1024xi32, #tpu.memory_space<hbm>> -> memref<1024xi32, #tpu.memory_space<hbm>>
    %dma_wait3A_67 = tpu.memref_slice %arg3[%select_n3A, %add3A_56] : memref<4x8192xi32, #tpu.memory_space<hbm>> -> memref<1x1024xi32, #tpu.memory_space<hbm>>
    %dma_wait3A_68 = tpu.memref_squeeze %dma_wait3A_67 : memref<1x1024xi32, #tpu.memory_space<hbm>> -> memref<1024xi32, #tpu.memory_space<hbm>>
    tpu.wait_dma2 semaphore(%arg9 : memref<!tpu.dma_semaphore, #tpu.memory_space<semaphore_mem>>) src(%arg5 : memref<1024xi32, #tpu.memory_space<vmem>>) dst(%dma_wait3A_68 : memref<1024xi32, #tpu.memory_space<hbm>>)
    return
  }
}

</mosaic_0001>

<sc_bundles>
// kernel: kernel.3.cloned.1.call-start
scs
__scs_entry_jumppad:
0x0: {  	(pc) =	sbr.rel $0x88, $3  }
0x1: {  	(tag) =	ssettag $0x0;
	lr =	simm.s32 $0x1  }
0x2: {  	[smem:$0x3FA0] =	sst lr;
	_ =	strace $0xD0000000  }
0x3: {  	_ = 	snop  }
0x4: {  	_ = 	snop  }
0x5: {  	_ = 	snop  }
0x6: {  	_ = 	snop  }
0x7: {  	_ = 	snop  }
__scs_overlays_trampoline_lowered:
0x8: {  	[smem:$0x3FAF] =	sst s0  }
0x9: {  	[smem:$0x3FB0] =	sst s1  }
0xa: {  	[smem:$0x3FB1] =	sst s2  }
0xb: {  	[smem:$0x3FB2] =	sst s3  }
0xc: {  	[smem:$0x3FB3] =	sst s4  }
0xd: {  	[smem:$0x3FB4] =	sst s5  }
0xe: {  	[smem:$0x3FB5] =	sst s6  }
0xf: {  	[smem:$0x3FB6] =	sst s7  }
0x10: {  	[smem:$0x3FB7] =	sst s8  }
0x11: {  	[smem:$0x3FB8] =	sst s9;
	s0 =	simm.s32 @!p0 $0x0  }
0x12: {  	s1 =	sld [smem:$0x3F9E];
	s0 =	simm.s32 @p0 $0x1  }
0x13: {  	[smem:$0x3FB9] =	sst s0;
	s0 =	simm.s32 @!p1 $0x0  }
0x14: {  	s2 =	sld [smem:$0x3F9D];
	s0 =	simm.s32 @p1 $0x1  }
0x15: {  	[smem:$0x3FBA] =	sst s0;
	s0 =	simm.s32 @!p2 $0x0  }
0x16: {  	s3 =	sld [smem:$0x3FDB];
	s0 =	simm.s32 @p2 $0x1  }
0x17: {  	s4 =	simm.s32 $0x1BF5;
	[smem:$0x3FBC] =	sst s0  }
0x18: {  	s0 =	sld [smem:$0x3F9F];
	_ =	swait.ge [sflag:s4], $0x0  }
0x19: {  	s7 =	sld [smem:$0x3FA0]  }
0x1a: {  	s8 =	sadd.s32 $0xFFFFE003, lr  }
0x1b: {  	s9 =	sadd.s32 $0xFFFFFEF7, lr;
	s5 =	simm.s32 $0xFFFFFFFF;
	p2 =	slt.u32 s8, $0xFFFFF086  }
0x1c: {  	p1 =	slt.u32 s9, $0xF7A;
	s5 =	simm.s32 @!p2 $0x0  }
0x1d: {  	s5 =	simm.s32 @p1 $0x1;
	p0 =	seq.s32 s7, s2  }
0x1e: {  	s7 =	smul.u32 @!p0 $0xF7A, s2;
	p2 =	seq.s32 @!p0 s5, $0x0  }
0x1f: {  	s9 =	smul.u32 $0xF7A, s1;
	s8 =	simm.s32 @!p0 $0x1BF5;
	p2 =	por !p2, p0  }
0x20: {  	[sflag:s8] =	ssyncset.s32 @!p0 $0xFFFFF086;
	s6 =	sadd.s32 @!p0 s3, s7;
	s7 =	simm.s32 @!p0 $0x108  }
0x21: {  	s3 =	sadd.s32 s3, s9;
	s6 =	sadd.s32 @!p0 $0x88, s6;
	s7 =	simm.s32 @p2 $0x1082  }
0x22: {  	[simem:s7], [sflag:s8] =	dma.local @!p0 [hbm:s6], $0xF7A  }
0x23: {  	s9 =	sor.u32 $0xD0000000, s2;
	s6 =	simm.s32 $0x108;
	_ =	swait.ge @!p0 [sflag:s8], $0x0  }
0x24: {  	s3 =	sadd.s32 $0x88, s3;
	s6 =	simm.s32 @!p1 $0x1082;
	[sflag:s4] =	ssyncset.s32 $0xFFFFF086  }
0x25: {  	[simem:s6], [sflag:s4] =	dma.local [hbm:s3], $0xF7A  }
0x26: {  	[smem:$0x3FA0] =	sst s1;
	(tag) =	ssettag s2;
	_ =	strace s9  }
0x27: {  	s1 =	sld [smem:$0x3FB0]  }
0x28: {  	s2 =	sld [smem:$0x3FB1]  }
0x29: {  	s4 =	sld [smem:$0x3FB3]  }
0x2a: {  	p0 =	seq.s32 s5, $0x0;
	s5 =	sld [smem:$0x3FB4]  }
0x2b: {  	s6 =	sld [smem:$0x3FB5]  }
0x2c: {  	s7 =	sld [smem:$0x3FB6]  }
0x2d: {  	s3 =	simm.s32 $0x108;
	s8 =	sld [smem:$0x3FB7]  }
0x2e: {  	s3 =	simm.s32 @!p0 $0x1082;
	s9 =	sld [smem:$0x3FB8]  }
0x2f: {  	lr =	sadd.s32 s0, s3;
	s0 =	sld [smem:$0x3FAF]  }
0x30: {  	s3 =	sld [smem:$0x3FB2]  }
0x31: {  	[smem:$0x3FBB] =	sst s10  }
0x32: {  	s10 =	sld [smem:$0x3FB9];
	_ =	sdelay $0x3  }
0x33: {  	p0 =	seq.s32 s10, $0x1;
	s10 =	sld [smem:$0x3FBB];
	_ =	sdelay $0x3  }
0x34: {  	[smem:$0x3FBB] =	sst s10  }
0x35: {  	s10 =	sld [smem:$0x3FBA];
	_ =	sdelay $0x3  }
0x36: {  	p1 =	seq.s32 s10, $0x1;
	s10 =	sld [smem:$0x3FBB];
	_ =	sdelay $0x3  }
0x37: {  	[smem:$0x3FBB] =	sst s10  }
0x38: {  	s10 =	sld [smem:$0x3FBC]  }
0x39: {  	_ = 	snop;
	(pc) =	sbr.ind lr, $3  }
0x3a: {  	_ = 	snop  }
0x3b: {  	_ = 	snop  }
0x3c: {  	p2 =	seq.s32 s10, $0x1;
	s10 =	sld [smem:$0x3FBB]  }
0x3d: {  	_ =	shalt  }
0x3e: {  	_ =	shalt  }
0x3f: {  	_ =	shalt  }
0x40: {  	_ =	shalt  }
0x41: {  	_ =	shalt  }
0x42: {  	_ =	shalt  }
0x43: {  	_ =	shalt  }
0x44: {  	_ =	shalt  }
0x45: {  	_ =	shalt  }
0x46: {  	_ =	shalt  }
0x47: {  	_ =	shalt  }
0x48: {  	_ =	shalt  }
0x49: {  	_ =	shalt  }
0x4a: {  	_ =	shalt  }
0x4b: {  	_ =	shalt  }
0x4c: {  	_ =	shalt  }
0x4d: {  	_ =	shalt  }
0x4e: {  	_ =	shalt  }
0x4f: {  	_ =	shalt  }
0x50: {  	_ =	shalt  }
0x51: {  	_ =	shalt  }
0x52: {  	_ =	shalt  }
0x53: {  	_ =	shalt  }
0x54: {  	_ =	shalt  }
0x55: {  	_ =	shalt  }
0x56: {  	_ =	shalt  }
0x57: {  	_ =	shalt  }
0x58: {  	_ =	shalt  }
0x59: {  	_ =	shalt  }
0x5a: {  	_ =	shalt  }
0x5b: {  	_ =	shalt  }
0x5c: {  	_ =	shalt  }
0x5d: {  	_ =	shalt  }
0x5e: {  	_ =	shalt  }
0x5f: {  	_ =	shalt  }
0x60: {  	_ =	shalt  }
0x61: {  	_ =	shalt  }
0x62: {  	_ =	shalt  }
0x63: {  	_ =	shalt  }
0x64: {  	_ =	shalt  }
0x65: {  	_ =	shalt  }
0x66: {  	_ =	shalt  }
0x67: {  	_ =	shalt  }
0x68: {  	_ =	shalt  }
0x69: {  	_ =	shalt  }
0x6a: {  	_ =	shalt  }
0x6b: {  	_ =	shalt  }
0x6c: {  	_ =	shalt  }
0x6d: {  	_ =	shalt  }
0x6e: {  	_ =	shalt  }
0x6f: {  	_ =	shalt  }
0x70: {  	_ =	shalt  }
0x71: {  	_ =	shalt  }
0x72: {  	_ =	shalt  }
0x73: {  	_ =	shalt  }
0x74: {  	_ =	shalt  }
0x75: {  	_ =	shalt  }
0x76: {  	_ =	shalt  }
0x77: {  	_ =	shalt  }
0x78: {  	_ =	shalt  }
0x79: {  	_ =	shalt  }
0x7a: {  	_ =	shalt  }
0x7b: {  	_ =	shalt  }
0x7c: {  	_ =	shalt  }
0x7d: {  	_ =	shalt  }
0x7e: {  	_ =	shalt  }
0x7f: {  	_ =	shalt  }
0x80: {  	_ =	shalt  }
0x81: {  	_ =	shalt  }
0x82: {  	_ =	shalt  }
0x83: {  	_ =	shalt  }
0x84: {  	_ =	shalt  }
0x85: {  	_ =	shalt  }
0x86: {  	_ =	shalt  }
0x87: {  	_ =	shalt  }
.Lfunc_end0:
.L_simem_size_0:
called_computation_lowered:
.L_overlay_start_0:
0x88: {  	s0 =	sld [smem:$0x3FD9]  }
0x89: {  	s1 =	sld [smem:$0x3FFE];
	_ =	sdelay $0x3  }
0x8a: {  	s0 =	sadd.s32 s1, s0  }
0x8b: {  	[smem:$0x3FC7] =	sst s0  }
0x8c: {  	_ = 	snop  }
0x8d: {  	s0 =	sld [smem:$0x3FC9]  }
0x8e: {  	s17 =	sld [smem:$0x3FD0];
	(tm) =	ssettm $0x1  }
0x8f: {  	s2 =	sld [smem:$0x3FFB];
	_ =	sdelay $0x3  }
0x90: {  	_ =	strace s2  }
0x91: {  	s2 =	sld [smem:$0x3FFC];
	_ =	sdelay $0x3  }
0x92: {  	_ =	strace s2  }
0x93: {  	s2 =	sld [smem:$0x3FFD];
	_ =	sdelay $0x3  }
0x94: {  	_ =	strace s2  }
0x95: {  	_ =	strace $0x8FFFFFFF  }
0x96: {  	s18 =	sld [smem:$0x3FDB];
	_ =	sdelay $0x1  }
0x97: {  	s3 =	simm.s32 $_scs_section_size  }
0x98: {  	s4 =	simm.s32 $_size__tile_overlayer_lowered;
	s5 =	simm.s32 $_tile_overlayer_lowered  }
0x99: {  	s21 =	simm.s32 $0x1BFF;
	s20 =	sshll.u32 s5, $0x1;
	s2 =	sadd.s32 s3, s18  }
0x9a: {  	s6 =	simm.s32 $0x0;
	s19 =	sshll.u32 s4, $0x1;
	s4 =	sadd.s32 s20, s2  }
0x9b: {  	[timem:s6], [sflag:s21] =	dma.local [hbm:s4], s19  }
0x9c: {  	_ =	swait.ge [sflag:s21], s19  }
0x9d: {  	s3 =	ssub.s32 $0x0, s19;
	[sflag:s21] =	ssyncset.done $0x0  }
0x9e: {  	[sflag:s21] =	ssyncadd.s32 s3;
	_ =	sdelay $0x1  }
0x9f: {  	s22 =	simm.s32 $0x1B8B  }
0xa0: {  	_ =	swait.ge [sflag:s22], $0x1  }
0xa1: {  	[sflag:s22] =	ssyncset.done $0x0  }
0xa2: {  	s23 =	simm.s32 $0x1B8E;
	[sflag:s22] =	ssyncadd.s32 $0xFFFFFFFF  }
0xa3: {  	s24 =	simm.s32 $execute0_lowered;
	[smem:$0x3FD2] =	sst s23  }
0xa4: {  	s3 =	sshll.u32 s24, $0x1;
	_ =	strace $0x80000046;
	[dreg:$0x1] =	wrdreg $0xFFFFFFFF  }
0xa5: {  	s25 =	simm.s32 $_size_execute0_lowered;
	s2 =	sadd.s32 s2, s3;
	[dreg:$0x0] =	wrdreg $0x0  }
0xa6: {  	s3 =	sshll.u32 s25, $0x1;
	[dreg:$0x2] =	wrdreg s2  }
0xa7: {  	[dreg:$0x3] =	wrdreg s3  }
0xa8: {  	[dreg:$0x4] =	wrdreg $0xC0  }
0xa9: {  	_ =	task [dreg:s6], $0x5FFFF  }
0xaa: {  	[dreg:$0x1] =	wrdreg $0xFFFFFFFF  }
0xab: {  	[dreg:$0x0] =	wrdreg $0x60  }
0xac: {  	[dreg:$0x2] =	wrdreg s0  }
0xad: {  	[dreg:$0x3] =	wrdreg s17  }
0xae: {  	[dreg:$0x4] =	wrdreg $0x9  }
0xaf: {  	_ =	task.clear_ibuf [dreg:s6], $0x5FFFF;
	_ =	strace $0x90000046  }
0xb0: {  	s26 =	simm.s32 $0x9;
	_ =	strace $0x80000048  }
0xb1: {  	_ =	swait.ge [sflag:s26], $0x1  }
0xb2: {  	[sflag:s26] =	ssyncadd.s32 $0xFFFFFFFF  }
0xb3: {  	_ =	strace $0x90000048  }
0xb4: {  	_ =	sfence  }
0xb5: {  	s28 =	sld [smem:$0x0];
	_ =	sdelay $0x1  }
0xb6: {  	s29 =	srdreg.scid  }
0xb7: {  	s30 =	sshll.u32 s29, $0xD;
	s31 =	sshrl.u32 s29, $0x2  }
0xb8: {  	s1 =	sand.u32 $0x1, s29;
	s2 =	sand.u32 $0x4000, s30;
	s0 =	sadd.s32 s31, s28  }
0xb9: {  	s1 =	sor.u32 s2, s1;
	s0 =	sshll.u32 s0, $0x11  }
0xba: {  	s0 =	sor.u32 s0, s1  }
0xbb: {  	s0 =	sadd.s32 $0x8F2B, s0  }
0xbc: {  	[sflag:s0] =	ssyncadd.remote.s32 $0x1  }
0xbd: {  	_ =	sfence.sel $0xFFFF  }
0xbe: {  	[dreg:$0x0] =	wrdreg $0xFFFFFFFF;
	(pc) =	sbr.abs _section_cstart, $3  }
0xbf: {  	[dreg:$0x1] =	wrdreg $0xFFFFFFFF  }
0xc0: {  	_ =	task.clear_ibuf [dreg:s6], $0x2FFFF;
	_ =	strace $0x9FFFFFFF  }
0xc1: {  	(tm) =	ssettm $0x7FFFFFFF  }
tec
execute0_lowered:
.L_overlay_start_1:
0x0: {  	(tag) =	ssettag $0x1  }
0x1: {  	s5 =	rddreg [dreg:$0x0]  }
0x2: {  	s0 =	stileid.u32;
	s2 =	rddreg [dreg:$0x1]  }
0x3: {  	s1 =	rddreg [dreg:$0x2];
	s3 =	sshll.u32 s0, $0xA;
	s4 =	sshll.u32 s0, $0x2  }
0x4: {  	s6 =	simm.s32 $0x0;
	s8 =	simm.s32 $0x80;
	s3 =	sor.u32 s4, s3  }
0x5: {  	s9 =	simm.s32 $0x200;
	[smem:$0x7FF] =	sst s6;
	s4 =	sand.u32 $0xC30, s3  }
0x6: {  	_ =	strace $0x80000047;
	s7 =	sadd.s32 s5, s4;
	s3 =	sor.u32 $0x200, s4  }
0x7: {  	[tilespmem:s6], [sflag:$0x1] =	stream.strided.gather [hbm4b:s7+s8], $0x400, s9, s8, $0x38;
	[tilespmem:$0x800] =	vst v63  }
0x8: {  	s30 =	simm.s32 $0x400;
	s31 =	simm.s32 $0x1;
	s5 =	sadd.s32 s5, s3  }
0x9: {  	[tilespmem:s30], [sflag:$0x2] =	stream.strided.gather [hbm4b:s5+s8], $0x400, s9, s8, $0x38;
	[tilespmem:$0x800] =	vst v63  }
0xa: {  	_ =	swait.ge [sflag:s31], $0x400  }
0xb: {  	[sflag:s31] =	ssyncset.done $0x0  }
0xc: {  	s5 =	simm.s32 $0x40;
	[sflag:s31] =	ssyncadd.s32 $0xFFFFFC00  }
0xd: {  	v3 =	vld [tilespmem:s5+$0x30]  }
0xe: {  	v4 =	vld [tilespmem:s5+$0xFFFFFFD0]  }
0xf: {  	v5 =	vld [tilespmem:s5+$0xFFFFFFE0]  }
0x10: {  	v2 =	vld [tilespmem:s5+$0xFFFFFFF0]  }
0x11: {  	v1 =	vld [tilespmem:s5+$0x0]  }
0x12: {  	v0 =	vld [tilespmem:s5+$0x10];
	v6 =	vand.u32 $0xF, v3  }
0x13: {  	v7 =	vand.u32 $0xF, v4;
	v3 =	vld [tilespmem:s5+$0x20];
	[tilespmem:s5+$0x30] =	vst v6  }
0x14: {  	s6 =	simm.s32 $0x0;
	s7 =	simm.s32 $0xC0;
	v4 =	vld [tilespmem:s5+$0xFFFFFFC0];
	v5 =	vand.u32 $0xF, v5;
	[tilespmem:s5+$0xFFFFFFD0] =	vst v7  }
.LBB2_1:
0x15: {  	v6 =	vld [tilespmem:s7+$0x30];
	s6 =	sadd.s32 $0x80, s6;
	[tilespmem:s5+$0xFFFFFFE0] =	vst v5;
	v2 =	vand.u32 $0xF, v2  }
0x16: {  	v5 =	vld [tilespmem:s7+$0xFFFFFFD0];
	p0 =	slt.u32 s6, $0x380;
	[tilespmem:s5+$0xFFFFFFF0] =	vst v2;
	v1 =	vand.u32 $0xF, v1  }
0x17: {  	v7 =	vld [tilespmem:s7+$0xFFFFFFE0];
	[tilespmem:s5+$0x0] =	vst v1;
	v0 =	vand.u32 $0xF, v0  }
.Ltmp0:
0x18: {  	v2 =	vld [tilespmem:s7+$0xFFFFFFF0];
	[tilespmem:s5+$0x10] =	vst v0;
	v0 =	vand.u32 $0xF, v3;
	(pc) =	sbr.rel @p0 .LBB2_1-.Ltmp0, $4  }
0x19: {  	v1 =	vld [tilespmem:s7+$0x0];
	v3 =	vand.u32 $0xF, v4;
	[tilespmem:s5+$0x20] =	vst v0  }
0x1a: {  	v0 =	vld [tilespmem:s7+$0x10];
	v4 =	vand.u32 $0xF, v6;
	[tilespmem:s5+$0xFFFFFFC0] =	vst v3;
	s5 =	smov.u32 s7  }
0x1b: {  	v5 =	vand.u32 $0xF, v5;
	v3 =	vld [tilespmem:s7+$0x20];
	[tilespmem:s7+$0x30] =	vst v4  }
0x1c: {  	s7 =	sadd.s32 $0x80, s7;
	v4 =	vld [tilespmem:s5+$0xFFFFFFC0];
	[tilespmem:s5+$0xFFFFFFD0] =	vst v5;
	v5 =	vand.u32 $0xF, v7  }
0x1d: {  	[tilespmem:s5+$0xFFFFFFE0] =	vst v5;
	v2 =	vand.u32 $0xF, v2  }
0x1e: {  	[tilespmem:s5+$0xFFFFFFF0] =	vst v2;
	v1 =	vand.u32 $0xF, v1  }
0x1f: {  	[tilespmem:s5+$0x0] =	vst v1;
	v0 =	vand.u32 $0xF, v0  }
0x20: {  	[tilespmem:s5+$0x10] =	vst v0;
	v0 =	vand.u32 $0xF, v3  }
0x21: {  	s4 =	sadd.s32 s2, s4;
	s30 =	simm.s32 $0x80;
	v1 =	vand.u32 $0xF, v4;
	[tilespmem:s5+$0x20] =	vst v0  }
0x22: {  	s6 =	simm.s32 $0x200;
	s7 =	simm.s32 $0x0;
	s31 =	simm.s32 $0x2;
	[tilespmem:s5+$0xFFFFFFC0] =	vst v1  }
0x23: {  	[hbm4b:s4+s30] =	stream.strided.scatter [tilespmem:s7], [sflag:$0x3], $0x400, s6, s30, $0x38;
	[tilespmem:$0x800] =	vst v63  }
0x24: {  	_ =	swait.ge [sflag:s31], $0x400  }
0x25: {  	[sflag:s31] =	ssyncset.done $0x0  }
0x26: {  	s4 =	simm.s32 $0x440;
	[sflag:s31] =	ssyncadd.s32 $0xFFFFFC00  }
0x27: {  	v3 =	vld [tilespmem:s4+$0x30]  }
0x28: {  	v4 =	vld [tilespmem:s4+$0xFFFFFFD0]  }
0x29: {  	v5 =	vld [tilespmem:s4+$0xFFFFFFE0]  }
0x2a: {  	v2 =	vld [tilespmem:s4+$0xFFFFFFF0]  }
0x2b: {  	v1 =	vld [tilespmem:s4+$0x0]  }
0x2c: {  	v0 =	vld [tilespmem:s4+$0x10];
	v6 =	vand.u32 $0xF, v3  }
0x2d: {  	v7 =	vand.u32 $0xF, v4;
	v3 =	vld [tilespmem:s4+$0x20];
	[tilespmem:s4+$0x30] =	vst v6  }
0x2e: {  	s5 =	simm.s32 $0x0;
	s6 =	simm.s32 $0x4C0;
	v4 =	vld [tilespmem:s4+$0xFFFFFFC0];
	v5 =	vand.u32 $0xF, v5;
	[tilespmem:s4+$0xFFFFFFD0] =	vst v7  }
.LBB2_3:
0x2f: {  	v6 =	vld [tilespmem:s6+$0x30];
	s5 =	sadd.s32 $0x80, s5;
	[tilespmem:s4+$0xFFFFFFE0] =	vst v5;
	v2 =	vand.u32 $0xF, v2  }
0x30: {  	v5 =	vld [tilespmem:s6+$0xFFFFFFD0];
	p0 =	slt.u32 s5, $0x380;
	[tilespmem:s4+$0xFFFFFFF0] =	vst v2;
	v1 =	vand.u32 $0xF, v1  }
0x31: {  	v7 =	vld [tilespmem:s6+$0xFFFFFFE0];
	[tilespmem:s4+$0x0] =	vst v1;
	v0 =	vand.u32 $0xF, v0  }
.Ltmp1:
0x32: {  	v2 =	vld [tilespmem:s6+$0xFFFFFFF0];
	[tilespmem:s4+$0x10] =	vst v0;
	v0 =	vand.u32 $0xF, v3;
	(pc) =	sbr.rel @p0 .LBB2_3-.Ltmp1, $4  }
0x33: {  	v1 =	vld [tilespmem:s6+$0x0];
	v3 =	vand.u32 $0xF, v4;
	[tilespmem:s4+$0x20] =	vst v0  }
0x34: {  	v0 =	vld [tilespmem:s6+$0x10];
	v4 =	vand.u32 $0xF, v6;
	[tilespmem:s4+$0xFFFFFFC0] =	vst v3;
	s4 =	smov.u32 s6  }
0x35: {  	v5 =	vand.u32 $0xF, v5;
	v3 =	vld [tilespmem:s6+$0x20];
	[tilespmem:s6+$0x30] =	vst v4  }
0x36: {  	s6 =	sadd.s32 $0x80, s6;
	v4 =	vld [tilespmem:s4+$0xFFFFFFC0];
	[tilespmem:s4+$0xFFFFFFD0] =	vst v5;
	v5 =	vand.u32 $0xF, v7  }
0x37: {  	[tilespmem:s4+$0xFFFFFFE0] =	vst v5;
	v2 =	vand.u32 $0xF, v2  }
0x38: {  	[tilespmem:s4+$0xFFFFFFF0] =	vst v2;
	v1 =	vand.u32 $0xF, v1  }
0x39: {  	[tilespmem:s4+$0x0] =	vst v1;
	v0 =	vand.u32 $0xF, v0  }
0x3a: {  	[tilespmem:s4+$0x10] =	vst v0;
	v62 =	vand.u32 $0xF, v3  }
0x3b: {  	s2 =	sadd.s32 s2, s3;
	s28 =	simm.s32 $0x80;
	v63 =	vand.u32 $0xF, v4;
	[tilespmem:s4+$0x20] =	vst v62  }
0x3c: {  	s29 =	simm.s32 $0x200;
	s5 =	simm.s32 $0x400;
	s30 =	simm.s32 $0x3;
	[tilespmem:s4+$0xFFFFFFC0] =	vst v63  }
0x3d: {  	[hbm4b:s2+s28] =	stream.strided.scatter [tilespmem:s5], [sflag:$0x4], $0x400, s29, s28, $0x38;
	[tilespmem:$0x800] =	vst v63  }
0x3e: {  	_ =	swait.ge [sflag:s30], $0x400  }
0x3f: {  	[sflag:s30] =	ssyncset.done $0x0  }
0x40: {  	s31 =	simm.s32 $0x4;
	[sflag:s30] =	ssyncadd.s32 $0xFFFFFC00  }
0x41: {  	_ =	swait.ge [sflag:s31], $0x400  }
0x42: {  	[sflag:s31] =	ssyncset.done $0x0  }
0x43: {  	[sflag:s31] =	ssyncadd.s32 $0xFFFFFC00  }
0x44: {  	_ =	sfence.sel $0x180000  }
0x45: {  	[bflag:$0x0] =	sbarrier.arrive $0xFFFF  }
0x46: {  	p0 =	sne.s32 s0, $0x0;
	_ =	strace $0x90000047  }
0x47: {  	s0 =	sadd.s32 @!p0 $0x100000, s1;
	[bflag:$0x2] =	sbarrier.arrive $0xFFFF  }
0x48: {  	[sflag:s0] =	ssyncadd.tile.s32 @!p0 $0x1;
	_ =	shalt  }
.Lfunc_end2:
_tile_overlayer_lowered:
.L_overlay_start_2:
0x49: {  	(tag) =	ssettag $0x2  }
0x4a: {  	s0 =	rddreg [dreg:$0x0];
	s2 =	stileid.u32  }
0x4b: {  	s1 =	rddreg [dreg:$0x1];
	p0 =	sne.s32 s2, $0x0  }
0x4c: {  	s3 =	rddreg [dreg:$0x2];
	[bflag:$0x3] =	sbarrier.arrive $0xFFFF;
	s2 =	simm.s32 @!p0 $0x1C05  }
0x4d: {  	[timem:s3], [sflag:s2] =	dma.local @!p0 [hbm:s0], s1  }
0x4e: {  	s0 =	simm.s32 @!p0 $0x5  }
0x4f: {  	_ =	swait.ge @!p0 [sflag:s0], s1  }
0x50: {  	s1 =	ssub.s32 @!p0 $0x0, s1;
	[sflag:s0] =	ssyncset.done @!p0 $0x0  }
0x51: {  	[sflag:s0] =	ssyncadd.s32 @!p0 s1  }
0x52: {  	[bflag:$0x3] =	sbarrier.arrive $0xFFFF  }
0x53: {  	_ =	shalt  }

</sc_bundles>
